<compile_context>
chip_gen: v7x
topology: tpu7x:2x2x1
jax: 0.10.2.dev20260603
libtpu: 0.0.44.dev20260713+nightly
codegen_flags: <defaults>
</compile_context>

<pallas_src>
import functools

import jax
import jax.numpy as jnp
from jax import lax
from jax.experimental import pallas as pl
from jax.experimental.pallas import tpu as pltpu
from jax.experimental.pallas import tpu_sc as plsc

_MAX_COUNT = 255
_D = 128
_NC = 2
_NS = 16
_NW = _NC * _NS
_NB = 4


@functools.lru_cache(maxsize=None)
def _make_lookup(nrows2d):
    rows_per_w = nrows2d // _NW
    steps = rows_per_w
    assert steps % _NB == 0

    mesh = plsc.VectorSubcoreMesh(core_axis_name="c", subcore_axis_name="s")

    @functools.partial(
        pl.kernel,
        mesh=mesh,
        out_type=jax.ShapeDtypeStruct((nrows2d * _D, _D), jnp.float32),
        scratch_types=(
            [pltpu.VMEM_SHARED((_MAX_COUNT + 1, _D), jnp.float32)]
            + [pltpu.VMEM((_MAX_COUNT + 1, _D), jnp.float32)]
            + [pltpu.VMEM((1, 128), jnp.int32)] * _NB
            + [pltpu.VMEM((128, _D), jnp.float32)] * _NB
            + [pltpu.SemaphoreType.DMA] * (3 * _NB)
        ),
    )
    def lookup(idx_hbm, tbl_hbm, ext_hbm, out_hbm, tbl_sh, stage_v, *rest):
        idx_v = rest[0:_NB]
        rows_v = rest[_NB:2 * _NB]
        isem = rest[2 * _NB:3 * _NB]
        gsem = rest[3 * _NB:4 * _NB]
        wsem = rest[4 * _NB:5 * _NB]

        cid = lax.axis_index("c")
        sid = lax.axis_index("s")
        wid = sid * _NC + cid
        row0 = wid * rows_per_w

        @pl.when(sid == 0)
        def _():
            pltpu.sync_copy(tbl_hbm, stage_v)
            pltpu.sync_copy(ext_hbm, stage_v.at[pl.ds(_MAX_COUNT, 1)])
            pltpu.sync_copy(stage_v, tbl_sh)

        plsc.subcore_barrier()

        def fire_i(s, b):
            pltpu.async_copy(idx_hbm.at[pl.ds(row0 + s, 1)],
                             idx_v[b], isem[b])

        def wait_i(b):
            pltpu.make_async_copy(idx_hbm.at[pl.ds(row0, 1)],
                                  idx_v[b], isem[b]).wait()

        def fire_g(b):
            pltpu.async_copy(tbl_sh.at[idx_v[b].at[0]], rows_v[b], gsem[b])

        def wait_g(b):
            pltpu.make_async_copy(tbl_sh.at[idx_v[b].at[0]],
                                  rows_v[b], gsem[b]).wait()

        def fire_w(s, b):
            pltpu.async_copy(rows_v[b],
                             out_hbm.at[pl.ds((row0 + s) * 128, 128)],
                             wsem[b])

        def wait_w(b):
            pltpu.make_async_copy(rows_v[b],
                                  out_hbm.at[pl.ds(row0 * 128, 128)],
                                  wsem[b]).wait()

        fire_i(0, 0)

        def body(p, carry):
            for b in range(_NB):
                s = _NB * p + b
                wait_i(b)

                @pl.when(p >= 1)
                def _():
                    wait_w(b)

                fire_g(b)

                prev = (b - 1) % _NB
                if b == 0:
                    @pl.when(p >= 1)
                    def _():
                        wait_g(prev)
                        fire_w(s - 1, prev)
                else:
                    wait_g(prev)
                    fire_w(s - 1, prev)

                nxt = (b + 1) % _NB
                if b == _NB - 1:
                    @pl.when(p + 1 < steps // _NB)
                    def _():
                        fire_i(s + 1, nxt)
                else:
                    fire_i(s + 1, nxt)
            return carry

        lax.fori_loop(0, steps // _NB, body, 0)

        wait_g(_NB - 1)
        fire_w(steps - 1, _NB - 1)
        for b in range(_NB):
            wait_w(b)

    return lookup


def kernel(tensor, int_to_feat_matrix, extra_embeddings):
    batch, fields = tensor.shape
    total = batch * fields
    nrows2d = total // 128
    assert total % 128 == 0

    idx2d = tensor.astype(jnp.int32).reshape(nrows2d, 128)
    out2d = _make_lookup(nrows2d)(idx2d, int_to_feat_matrix, extra_embeddings)
    return out2d.reshape(batch, fields * _D)

# --- scband reference (transcript-rebuilt; emitter-appended) ---
"""Pipeline reference for scband-int-featurizer-7335804142399 (READ-ONLY COPY).

The authoritative reference and input builder live on the scoring server;
editing this copy changes nothing except your own understanding.
"""

import jax, jax.numpy as jnp
import numpy as np

MAX_COUNT_INT = 255
NUM_EXTRA = 1
EMBED_DIM = 128
BATCH = 16384
FIELDS = 100


def setup_inputs(seed: int = 0) -> dict:
    key = jax.random.key(seed)
    k1, k2, k3 = jax.random.split(key, 3)
    tensor = jax.random.randint(k1, (BATCH, FIELDS), 0, MAX_COUNT_INT + NUM_EXTRA, dtype=jnp.int64 if jax.config.read('jax_enable_x64') else jnp.int32)
    # int_to_feat_matrix: subclass-defined lookup table; sized to cover all valid indices
    int_to_feat_matrix = jax.random.normal(k2, (MAX_COUNT_INT + NUM_EXTRA, EMBED_DIM), dtype=jnp.float32)
    extra_embeddings = jax.random.normal(k3, (NUM_EXTRA, EMBED_DIM), dtype=jnp.float32)
    return {"tensor": tensor, "int_to_feat_matrix": int_to_feat_matrix, "extra_embeddings": extra_embeddings}


def reference(tensor, int_to_feat_matrix, extra_embeddings):
    orig_shape = tensor.shape
    extra_embed_mask = (tensor >= MAX_COUNT_INT).astype(jnp.float32)
    idx = tensor.astype(jnp.int32)
    norm_embeds = jnp.take(int_to_feat_matrix, idx, axis=0)
    extra_idx = jnp.maximum(idx, MAX_COUNT_INT * jnp.ones_like(idx)) - MAX_COUNT_INT
    extra_embeds = jnp.take(extra_embeddings, extra_idx, axis=0)
    out_tensor = (1.0 - extra_embed_mask)[..., None] * norm_embeds + extra_embed_mask[..., None] * extra_embeds
    temp_out = out_tensor.reshape(*orig_shape[:-1], -1)
    return temp_out

if __name__ == "__main__":
    import jax
    _d = setup_inputs()
    print(jax.jit(kernel)(*tuple(_d.values())))

</pallas_src>

<mosaic_0001>
#map = affine_map<(d0, d1) -> (0, 0)>
module attributes {stable_mosaic.version = 14 : i64} {
  func.func @lookup(%arg0: i32, %arg1: i32, %arg2: memref<12800x128xi32, #tpu.memory_space<hbm>>, %arg3: memref<256x128xf32, #tpu.memory_space<hbm>>, %arg4: memref<1x128xf32, #tpu.memory_space<hbm>>, %arg5: memref<1638400x128xf32, #tpu.memory_space<hbm>>, %arg6: memref<256x128xf32, #tpu.memory_space<vmem_shared>>, %arg7: memref<256x128xf32, #tpu.memory_space<vmem>>, %arg8: memref<1x128xi32, #tpu.memory_space<vmem>>, %arg9: memref<1x128xi32, #tpu.memory_space<vmem>>, %arg10: memref<1x128xi32, #tpu.memory_space<vmem>>, %arg11: memref<1x128xi32, #tpu.memory_space<vmem>>, %arg12: memref<128x128xf32, #tpu.memory_space<vmem>>, %arg13: memref<128x128xf32, #tpu.memory_space<vmem>>, %arg14: memref<128x128xf32, #tpu.memory_space<vmem>>, %arg15: memref<128x128xf32, #tpu.memory_space<vmem>>, %arg16: memref<!tpu.dma_semaphore, #tpu.memory_space<semaphore_mem>>, %arg17: memref<!tpu.dma_semaphore, #tpu.memory_space<semaphore_mem>>, %arg18: memref<!tpu.dma_semaphore, #tpu.memory_space<semaphore_mem>>, %arg19: memref<!tpu.dma_semaphore, #tpu.memory_space<semaphore_mem>>, %arg20: memref<!tpu.dma_semaphore, #tpu.memory_space<semaphore_mem>>, %arg21: memref<!tpu.dma_semaphore, #tpu.memory_space<semaphore_mem>>, %arg22: memref<!tpu.dma_semaphore, #tpu.memory_space<semaphore_mem>>, %arg23: memref<!tpu.dma_semaphore, #tpu.memory_space<semaphore_mem>>, %arg24: memref<!tpu.dma_semaphore, #tpu.memory_space<semaphore_mem>>, %arg25: memref<!tpu.dma_semaphore, #tpu.memory_space<semaphore_mem>>, %arg26: memref<!tpu.dma_semaphore, #tpu.memory_space<semaphore_mem>>, %arg27: memref<!tpu.dma_semaphore, #tpu.memory_space<semaphore_mem>>) attributes {dimension_semantics = [#tpu.dimension_semantics<core_parallel>, #tpu.dimension_semantics<subcore_parallel>], iteration_bounds = array<i64: 2, 16>, scalar_prefetch = 0 : i64, scratch_operands = 22 : i64, tpu.core_type = #tpu.core_type<sc_vector_subcore>, window_params = [{transform_indices = #map}, {transform_indices = #map}, {transform_indices = #map}, {transform_indices = #map}]} {
    %mul3A = arith.constant 2 : i32
    %mul3A_0 = arith.muli %arg1, %mul3A : i32
    %add3A = arith.addi %mul3A_0, %arg0 : i32
    %mul3A_1 = arith.constant 400 : i32
    %mul3A_2 = arith.muli %add3A, %mul3A_1 : i32
    %eq3A = arith.constant 0 : i32
    %eq3A_3 = arith.cmpi eq, %arg1, %eq3A : i32
    %convert_element_type3A = arith.extui %eq3A_3 : i1 to i32
    %cond3A = arith.constant 0 : i32
    %cond3A_4 = arith.cmpi ne, %convert_element_type3A, %cond3A : i32
    scf.if %cond3A_4 {
      "tpu.region"() ({
        %run_scoped3A = tpu.sem_alloc : memref<!tpu.dma_semaphore, #tpu.memory_space<semaphore_mem>>
        tpu.enqueue_dma source(%arg3 : memref<256x128xf32, #tpu.memory_space<hbm>>) target(%arg7 : memref<256x128xf32, #tpu.memory_space<vmem>>) target_semaphore(%run_scoped3A : memref<!tpu.dma_semaphore, #tpu.memory_space<semaphore_mem>>)
        tpu.wait_dma2 semaphore(%run_scoped3A : memref<!tpu.dma_semaphore, #tpu.memory_space<semaphore_mem>>) src(%arg3 : memref<256x128xf32, #tpu.memory_space<hbm>>) dst(%arg7 : memref<256x128xf32, #tpu.memory_space<vmem>>)
        tpu.yield
      }) : () -> ()
      "tpu.region"() ({
        %run_scoped3A = tpu.sem_alloc : memref<!tpu.dma_semaphore, #tpu.memory_space<semaphore_mem>>
        %dma_start3A_53 = arith.constant 255 : i32
        %dma_start3A_54 = arith.constant 0 : i32
        %dma_start3A_55 = tpu.memref_slice %arg7[%dma_start3A_53, %dma_start3A_54] : memref<256x128xf32, #tpu.memory_space<vmem>> -> memref<1x128xf32, #tpu.memory_space<vmem>>
        %dma_start3A_56 = arith.constant 255 : i32
        %dma_start3A_57 = arith.constant 0 : i32
        %dma_start3A_58 = tpu.memref_slice %arg7[%dma_start3A_56, %dma_start3A_57] : memref<256x128xf32, #tpu.memory_space<vmem>> -> memref<1x128xf32, #tpu.memory_space<vmem>>
        tpu.enqueue_dma source(%arg4 : memref<1x128xf32, #tpu.memory_space<hbm>>) target(%dma_start3A_58 : memref<1x128xf32, #tpu.memory_space<vmem>>) target_semaphore(%run_scoped3A : memref<!tpu.dma_semaphore, #tpu.memory_space<semaphore_mem>>)
        %dma_wait3A_59 = arith.constant 255 : i32
        %dma_wait3A_60 = arith.constant 0 : i32
        %dma_wait3A_61 = tpu.memref_slice %arg7[%dma_wait3A_59, %dma_wait3A_60] : memref<256x128xf32, #tpu.memory_space<vmem>> -> memref<1x128xf32, #tpu.memory_space<vmem>>
        %dma_wait3A_62 = arith.constant 255 : i32
        %dma_wait3A_63 = arith.constant 0 : i32
        %dma_wait3A_64 = tpu.memref_slice %arg7[%dma_wait3A_62, %dma_wait3A_63] : memref<256x128xf32, #tpu.memory_space<vmem>> -> memref<1x128xf32, #tpu.memory_space<vmem>>
        tpu.wait_dma2 semaphore(%run_scoped3A : memref<!tpu.dma_semaphore, #tpu.memory_space<semaphore_mem>>) src(%arg4 : memref<1x128xf32, #tpu.memory_space<hbm>>) dst(%dma_wait3A_64 : memref<1x128xf32, #tpu.memory_space<vmem>>)
        tpu.yield
      }) : () -> ()
      "tpu.region"() ({
        %run_scoped3A = tpu.sem_alloc : memref<!tpu.dma_semaphore, #tpu.memory_space<semaphore_mem>>
        tpu.enqueue_dma source(%arg7 : memref<256x128xf32, #tpu.memory_space<vmem>>) target(%arg6 : memref<256x128xf32, #tpu.memory_space<vmem_shared>>) target_semaphore(%run_scoped3A : memref<!tpu.dma_semaphore, #tpu.memory_space<semaphore_mem>>)
        tpu.wait_dma2 semaphore(%run_scoped3A : memref<!tpu.dma_semaphore, #tpu.memory_space<semaphore_mem>>) src(%arg7 : memref<256x128xf32, #tpu.memory_space<vmem>>) dst(%arg6 : memref<256x128xf32, #tpu.memory_space<vmem_shared>>)
        tpu.yield
      }) : () -> ()
    } else {
    }
    %barrier3A = arith.constant 0 : index
    tpu.barrier barrier_id(%barrier3A)
    %add3A_5 = arith.constant 0 : i32
    %add3A_6 = arith.addi %mul3A_2, %add3A_5 : i32
    %dma_start3A = arith.constant 0 : i32
    %dma_start3A_7 = tpu.memref_slice %arg2[%add3A_6, %dma_start3A] : memref<12800x128xi32, #tpu.memory_space<hbm>> -> memref<1x128xi32, #tpu.memory_space<hbm>>
    %dma_start3A_8 = arith.constant 0 : i32
    %dma_start3A_9 = tpu.memref_slice %arg2[%add3A_6, %dma_start3A_8] : memref<12800x128xi32, #tpu.memory_space<hbm>> -> memref<1x128xi32, #tpu.memory_space<hbm>>
    tpu.enqueue_dma source(%dma_start3A_9 : memref<1x128xi32, #tpu.memory_space<hbm>>) target(%arg8 : memref<1x128xi32, #tpu.memory_space<vmem>>) target_semaphore(%arg16 : memref<!tpu.dma_semaphore, #tpu.memory_space<semaphore_mem>>)
    %scan3A = arith.constant 0 : i32
    %scan3A_10 = arith.constant 0 : i32
    %scan3A_11 = arith.constant 100 : i32
    %scan3A_12 = arith.addi %scan3A_10, %scan3A_11 : i32
    %scan3A_13 = arith.constant 1 : i32
    scf.for %scan3A_53 = %scan3A_10 to %scan3A_12 step %scan3A_13  : i32 {
      %mul3A_54 = arith.constant 4 : i32
      %mul3A_55 = arith.muli %mul3A_54, %scan3A_53 : i32
      %add3A_56 = arith.constant 0 : i32
      %add3A_57 = arith.addi %mul3A_55, %add3A_56 : i32
      %dma_wait3A_58 = arith.constant 0 : i32
      %dma_wait3A_59 = tpu.memref_slice %arg2[%mul3A_2, %dma_wait3A_58] : memref<12800x128xi32, #tpu.memory_space<hbm>> -> memref<1x128xi32, #tpu.memory_space<hbm>>
      %dma_wait3A_60 = arith.constant 0 : i32
      %dma_wait3A_61 = tpu.memref_slice %arg2[%mul3A_2, %dma_wait3A_60] : memref<12800x128xi32, #tpu.memory_space<hbm>> -> memref<1x128xi32, #tpu.memory_space<hbm>>
      tpu.wait_dma2 semaphore(%arg16 : memref<!tpu.dma_semaphore, #tpu.memory_space<semaphore_mem>>) src(%dma_wait3A_61 : memref<1x128xi32, #tpu.memory_space<hbm>>) dst(%arg8 : memref<1x128xi32, #tpu.memory_space<vmem>>)
      %ge3A = arith.constant 1 : i32
      %ge3A_62 = arith.cmpi sge, %scan3A_53, %ge3A : i32
      %convert_element_type3A_63 = arith.extui %ge3A_62 : i1 to i32
      %cond3A_64 = arith.constant 0 : i32
      %cond3A_65 = arith.cmpi ne, %convert_element_type3A_63, %cond3A_64 : i32
      scf.if %cond3A_65 {
        %mul3A_212 = arith.constant 128 : i32
        %mul3A_213 = arith.muli %mul3A_2, %mul3A_212 : i32
        %dma_wait3A_214 = arith.constant 0 : i32
        %dma_wait3A_215 = tpu.memref_slice %arg5[%mul3A_213, %dma_wait3A_214] : memref<1638400x128xf32, #tpu.memory_space<hbm>> -> memref<128x128xf32, #tpu.memory_space<hbm>>
        %dma_wait3A_216 = arith.constant 0 : i32
        %dma_wait3A_217 = tpu.memref_slice %arg5[%mul3A_213, %dma_wait3A_216] : memref<1638400x128xf32, #tpu.memory_space<hbm>> -> memref<128x128xf32, #tpu.memory_space<hbm>>
        tpu.wait_dma2 semaphore(%arg24 : memref<!tpu.dma_semaphore, #tpu.memory_space<semaphore_mem>>) src(%arg12 : memref<128x128xf32, #tpu.memory_space<vmem>>) dst(%dma_wait3A_217 : memref<128x128xf32, #tpu.memory_space<hbm>>)
      } else {
      }
      %dma_start3A_66 = arith.constant 0 : i32
      %dma_start3A_67 = arith.constant 0 : i32
      %dma_start3A_68 = tpu.memref_slice %arg8[%dma_start3A_66, %dma_start3A_67] : memref<1x128xi32, #tpu.memory_space<vmem>> -> memref<1x128xi32, #tpu.memory_space<vmem>>
      %dma_start3A_69 = tpu.memref_squeeze %dma_start3A_68 : memref<1x128xi32, #tpu.memory_space<vmem>> -> memref<128xi32, #tpu.memory_space<vmem>>
      %dma_start3A_70 = arith.constant 0 : i32
      %dma_start3A_71 = arith.constant 0 : i32
      %dma_start3A_72 = tpu.memref_slice %arg6[%dma_start3A_70, %dma_start3A_71] : memref<256x128xf32, #tpu.memory_space<vmem_shared>> -> memref<256x128xf32, #tpu.memory_space<vmem_shared>>
      tpu.enqueue_indirect_dma source(%dma_start3A_72 : memref<256x128xf32, #tpu.memory_space<vmem_shared>>) target(%arg12 : memref<128x128xf32, #tpu.memory_space<vmem>>) offsets(%dma_start3A_69 : memref<128xi32, #tpu.memory_space<vmem>>) semaphore(%arg20 : memref<!tpu.dma_semaphore, #tpu.memory_space<semaphore_mem>>)
      %ge3A_73 = arith.constant 1 : i32
      %ge3A_74 = arith.cmpi sge, %scan3A_53, %ge3A_73 : i32
      %convert_element_type3A_75 = arith.extui %ge3A_74 : i1 to i32
      %cond3A_76 = arith.constant 0 : i32
      %cond3A_77 = arith.cmpi ne, %convert_element_type3A_75, %cond3A_76 : i32
      scf.if %cond3A_77 {
        %dma_wait3A_212 = arith.constant 0 : i32
        %dma_wait3A_213 = arith.constant 0 : i32
        %dma_wait3A_214 = tpu.memref_slice %arg11[%dma_wait3A_212, %dma_wait3A_213] : memref<1x128xi32, #tpu.memory_space<vmem>> -> memref<1x128xi32, #tpu.memory_space<vmem>>
        %dma_wait3A_215 = tpu.memref_squeeze %dma_wait3A_214 : memref<1x128xi32, #tpu.memory_space<vmem>> -> memref<128xi32, #tpu.memory_space<vmem>>
        %dma_wait3A_216 = arith.constant 0 : i32
        %dma_wait3A_217 = arith.constant 0 : i32
        %dma_wait3A_218 = tpu.memref_slice %arg6[%dma_wait3A_216, %dma_wait3A_217] : memref<256x128xf32, #tpu.memory_space<vmem_shared>> -> memref<256x128xf32, #tpu.memory_space<vmem_shared>>
        tpu.wait_indirect_dma semaphore(%arg23 : memref<!tpu.dma_semaphore, #tpu.memory_space<semaphore_mem>>) src(%dma_wait3A_218 : memref<256x128xf32, #tpu.memory_space<vmem_shared>>) dst(%arg15 : memref<128x128xf32, #tpu.memory_space<vmem>>)
        %sub3A_219 = arith.constant 1 : i32
        %sub3A_220 = arith.subi %add3A_57, %sub3A_219 : i32
        %add3A_221 = arith.addi %mul3A_2, %sub3A_220 : i32
        %mul3A_222 = arith.constant 128 : i32
        %mul3A_223 = arith.muli %add3A_221, %mul3A_222 : i32
        %dma_start3A_224 = arith.constant 0 : i32
        %dma_start3A_225 = tpu.memref_slice %arg5[%mul3A_223, %dma_start3A_224] : memref<1638400x128xf32, #tpu.memory_space<hbm>> -> memref<128x128xf32, #tpu.memory_space<hbm>>
        %dma_start3A_226 = arith.constant 0 : i32
        %dma_start3A_227 = tpu.memref_slice %arg5[%mul3A_223, %dma_start3A_226] : memref<1638400x128xf32, #tpu.memory_space<hbm>> -> memref<128x128xf32, #tpu.memory_space<hbm>>
        tpu.enqueue_dma source(%arg15 : memref<128x128xf32, #tpu.memory_space<vmem>>) target(%dma_start3A_227 : memref<128x128xf32, #tpu.memory_space<hbm>>) target_semaphore(%arg27 : memref<!tpu.dma_semaphore, #tpu.memory_space<semaphore_mem>>)
      } else {
      }
      %add3A_78 = arith.constant 1 : i32
      %add3A_79 = arith.addi %add3A_57, %add3A_78 : i32
      %add3A_80 = arith.addi %mul3A_2, %add3A_79 : i32
      %dma_start3A_81 = arith.constant 0 : i32
      %dma_start3A_82 = tpu.memref_slice %arg2[%add3A_80, %dma_start3A_81] : memref<12800x128xi32, #tpu.memory_space<hbm>> -> memref<1x128xi32, #tpu.memory_space<hbm>>
      %dma_start3A_83 = arith.constant 0 : i32
      %dma_start3A_84 = tpu.memref_slice %arg2[%add3A_80, %dma_start3A_83] : memref<12800x128xi32, #tpu.memory_space<hbm>> -> memref<1x128xi32, #tpu.memory_space<hbm>>
      tpu.enqueue_dma source(%dma_start3A_84 : memref<1x128xi32, #tpu.memory_space<hbm>>) target(%arg9 : memref<1x128xi32, #tpu.memory_space<vmem>>) target_semaphore(%arg17 : memref<!tpu.dma_semaphore, #tpu.memory_space<semaphore_mem>>)
      %mul3A_85 = arith.constant 4 : i32
      %mul3A_86 = arith.muli %mul3A_85, %scan3A_53 : i32
      %add3A_87 = arith.constant 1 : i32
      %add3A_88 = arith.addi %mul3A_86, %add3A_87 : i32
      %dma_wait3A_89 = arith.constant 0 : i32
      %dma_wait3A_90 = tpu.memref_slice %arg2[%mul3A_2, %dma_wait3A_89] : memref<12800x128xi32, #tpu.memory_space<hbm>> -> memref<1x128xi32, #tpu.memory_space<hbm>>
      %dma_wait3A_91 = arith.constant 0 : i32
      %dma_wait3A_92 = tpu.memref_slice %arg2[%mul3A_2, %dma_wait3A_91] : memref<12800x128xi32, #tpu.memory_space<hbm>> -> memref<1x128xi32, #tpu.memory_space<hbm>>
      tpu.wait_dma2 semaphore(%arg17 : memref<!tpu.dma_semaphore, #tpu.memory_space<semaphore_mem>>) src(%dma_wait3A_92 : memref<1x128xi32, #tpu.memory_space<hbm>>) dst(%arg9 : memref<1x128xi32, #tpu.memory_space<vmem>>)
      %ge3A_93 = arith.constant 1 : i32
      %ge3A_94 = arith.cmpi sge, %scan3A_53, %ge3A_93 : i32
      %convert_element_type3A_95 = arith.extui %ge3A_94 : i1 to i32
      %cond3A_96 = arith.constant 0 : i32
      %cond3A_97 = arith.cmpi ne, %convert_element_type3A_95, %cond3A_96 : i32
      scf.if %cond3A_97 {
        %mul3A_212 = arith.constant 128 : i32
        %mul3A_213 = arith.muli %mul3A_2, %mul3A_212 : i32
        %dma_wait3A_214 = arith.constant 0 : i32
        %dma_wait3A_215 = tpu.memref_slice %arg5[%mul3A_213, %dma_wait3A_214] : memref<1638400x128xf32, #tpu.memory_space<hbm>> -> memref<128x128xf32, #tpu.memory_space<hbm>>
        %dma_wait3A_216 = arith.constant 0 : i32
        %dma_wait3A_217 = tpu.memref_slice %arg5[%mul3A_213, %dma_wait3A_216] : memref<1638400x128xf32, #tpu.memory_space<hbm>> -> memref<128x128xf32, #tpu.memory_space<hbm>>
        tpu.wait_dma2 semaphore(%arg25 : memref<!tpu.dma_semaphore, #tpu.memory_space<semaphore_mem>>) src(%arg13 : memref<128x128xf32, #tpu.memory_space<vmem>>) dst(%dma_wait3A_217 : memref<128x128xf32, #tpu.memory_space<hbm>>)
      } else {
      }
      %dma_start3A_98 = arith.constant 0 : i32
      %dma_start3A_99 = arith.constant 0 : i32
      %dma_start3A_100 = tpu.memref_slice %arg9[%dma_start3A_98, %dma_start3A_99] : memref<1x128xi32, #tpu.memory_space<vmem>> -> memref<1x128xi32, #tpu.memory_space<vmem>>
      %dma_start3A_101 = tpu.memref_squeeze %dma_start3A_100 : memref<1x128xi32, #tpu.memory_space<vmem>> -> memref<128xi32, #tpu.memory_space<vmem>>
      %dma_start3A_102 = arith.constant 0 : i32
      %dma_start3A_103 = arith.constant 0 : i32
      %dma_start3A_104 = tpu.memref_slice %arg6[%dma_start3A_102, %dma_start3A_103] : memref<256x128xf32, #tpu.memory_space<vmem_shared>> -> memref<256x128xf32, #tpu.memory_space<vmem_shared>>
      tpu.enqueue_indirect_dma source(%dma_start3A_104 : memref<256x128xf32, #tpu.memory_space<vmem_shared>>) target(%arg13 : memref<128x128xf32, #tpu.memory_space<vmem>>) offsets(%dma_start3A_101 : memref<128xi32, #tpu.memory_space<vmem>>) semaphore(%arg21 : memref<!tpu.dma_semaphore, #tpu.memory_space<semaphore_mem>>)
      %dma_wait3A_105 = arith.constant 0 : i32
      %dma_wait3A_106 = arith.constant 0 : i32
      %dma_wait3A_107 = tpu.memref_slice %arg8[%dma_wait3A_105, %dma_wait3A_106] : memref<1x128xi32, #tpu.memory_space<vmem>> -> memref<1x128xi32, #tpu.memory_space<vmem>>
      %dma_wait3A_108 = tpu.memref_squeeze %dma_wait3A_107 : memref<1x128xi32, #tpu.memory_space<vmem>> -> memref<128xi32, #tpu.memory_space<vmem>>
      %dma_wait3A_109 = arith.constant 0 : i32
      %dma_wait3A_110 = arith.constant 0 : i32
      %dma_wait3A_111 = tpu.memref_slice %arg6[%dma_wait3A_109, %dma_wait3A_110] : memref<256x128xf32, #tpu.memory_space<vmem_shared>> -> memref<256x128xf32, #tpu.memory_space<vmem_shared>>
      tpu.wait_indirect_dma semaphore(%arg20 : memref<!tpu.dma_semaphore, #tpu.memory_space<semaphore_mem>>) src(%dma_wait3A_111 : memref<256x128xf32, #tpu.memory_space<vmem_shared>>) dst(%arg12 : memref<128x128xf32, #tpu.memory_space<vmem>>)
      %sub3A = arith.constant 1 : i32
      %sub3A_112 = arith.subi %add3A_88, %sub3A : i32
      %add3A_113 = arith.addi %mul3A_2, %sub3A_112 : i32
      %mul3A_114 = arith.constant 128 : i32
      %mul3A_115 = arith.muli %add3A_113, %mul3A_114 : i32
      %dma_start3A_116 = arith.constant 0 : i32
      %dma_start3A_117 = tpu.memref_slice %arg5[%mul3A_115, %dma_start3A_116] : memref<1638400x128xf32, #tpu.memory_space<hbm>> -> memref<128x128xf32, #tpu.memory_space<hbm>>
      %dma_start3A_118 = arith.constant 0 : i32
      %dma_start3A_119 = tpu.memref_slice %arg5[%mul3A_115, %dma_start3A_118] : memref<1638400x128xf32, #tpu.memory_space<hbm>> -> memref<128x128xf32, #tpu.memory_space<hbm>>
      tpu.enqueue_dma source(%arg12 : memref<128x128xf32, #tpu.memory_space<vmem>>) target(%dma_start3A_119 : memref<128x128xf32, #tpu.memory_space<hbm>>) target_semaphore(%arg24 : memref<!tpu.dma_semaphore, #tpu.memory_space<semaphore_mem>>)
      %add3A_120 = arith.constant 1 : i32
      %add3A_121 = arith.addi %add3A_88, %add3A_120 : i32
      %add3A_122 = arith.addi %mul3A_2, %add3A_121 : i32
      %dma_start3A_123 = arith.constant 0 : i32
      %dma_start3A_124 = tpu.memref_slice %arg2[%add3A_122, %dma_start3A_123] : memref<12800x128xi32, #tpu.memory_space<hbm>> -> memref<1x128xi32, #tpu.memory_space<hbm>>
      %dma_start3A_125 = arith.constant 0 : i32
      %dma_start3A_126 = tpu.memref_slice %arg2[%add3A_122, %dma_start3A_125] : memref<12800x128xi32, #tpu.memory_space<hbm>> -> memref<1x128xi32, #tpu.memory_space<hbm>>
      tpu.enqueue_dma source(%dma_start3A_126 : memref<1x128xi32, #tpu.memory_space<hbm>>) target(%arg10 : memref<1x128xi32, #tpu.memory_space<vmem>>) target_semaphore(%arg18 : memref<!tpu.dma_semaphore, #tpu.memory_space<semaphore_mem>>)
      %mul3A_127 = arith.constant 4 : i32
      %mul3A_128 = arith.muli %mul3A_127, %scan3A_53 : i32
      %add3A_129 = arith.constant 2 : i32
      %add3A_130 = arith.addi %mul3A_128, %add3A_129 : i32
      %dma_wait3A_131 = arith.constant 0 : i32
      %dma_wait3A_132 = tpu.memref_slice %arg2[%mul3A_2, %dma_wait3A_131] : memref<12800x128xi32, #tpu.memory_space<hbm>> -> memref<1x128xi32, #tpu.memory_space<hbm>>
      %dma_wait3A_133 = arith.constant 0 : i32
      %dma_wait3A_134 = tpu.memref_slice %arg2[%mul3A_2, %dma_wait3A_133] : memref<12800x128xi32, #tpu.memory_space<hbm>> -> memref<1x128xi32, #tpu.memory_space<hbm>>
      tpu.wait_dma2 semaphore(%arg18 : memref<!tpu.dma_semaphore, #tpu.memory_space<semaphore_mem>>) src(%dma_wait3A_134 : memref<1x128xi32, #tpu.memory_space<hbm>>) dst(%arg10 : memref<1x128xi32, #tpu.memory_space<vmem>>)
      %ge3A_135 = arith.constant 1 : i32
      %ge3A_136 = arith.cmpi sge, %scan3A_53, %ge3A_135 : i32
      %convert_element_type3A_137 = arith.extui %ge3A_136 : i1 to i32
      %cond3A_138 = arith.constant 0 : i32
      %cond3A_139 = arith.cmpi ne, %convert_element_type3A_137, %cond3A_138 : i32
      scf.if %cond3A_139 {
        %mul3A_212 = arith.constant 128 : i32
        %mul3A_213 = arith.muli %mul3A_2, %mul3A_212 : i32
        %dma_wait3A_214 = arith.constant 0 : i32
        %dma_wait3A_215 = tpu.memref_slice %arg5[%mul3A_213, %dma_wait3A_214] : memref<1638400x128xf32, #tpu.memory_space<hbm>> -> memref<128x128xf32, #tpu.memory_space<hbm>>
        %dma_wait3A_216 = arith.constant 0 : i32
        %dma_wait3A_217 = tpu.memref_slice %arg5[%mul3A_213, %dma_wait3A_216] : memref<1638400x128xf32, #tpu.memory_space<hbm>> -> memref<128x128xf32, #tpu.memory_space<hbm>>
        tpu.wait_dma2 semaphore(%arg26 : memref<!tpu.dma_semaphore, #tpu.memory_space<semaphore_mem>>) src(%arg14 : memref<128x128xf32, #tpu.memory_space<vmem>>) dst(%dma_wait3A_217 : memref<128x128xf32, #tpu.memory_space<hbm>>)
      } else {
      }
      %dma_start3A_140 = arith.constant 0 : i32
      %dma_start3A_141 = arith.constant 0 : i32
      %dma_start3A_142 = tpu.memref_slice %arg10[%dma_start3A_140, %dma_start3A_141] : memref<1x128xi32, #tpu.memory_space<vmem>> -> memref<1x128xi32, #tpu.memory_space<vmem>>
      %dma_start3A_143 = tpu.memref_squeeze %dma_start3A_142 : memref<1x128xi32, #tpu.memory_space<vmem>> -> memref<128xi32, #tpu.memory_space<vmem>>
      %dma_start3A_144 = arith.constant 0 : i32
      %dma_start3A_145 = arith.constant 0 : i32
      %dma_start3A_146 = tpu.memref_slice %arg6[%dma_start3A_144, %dma_start3A_145] : memref<256x128xf32, #tpu.memory_space<vmem_shared>> -> memref<256x128xf32, #tpu.memory_space<vmem_shared>>
      tpu.enqueue_indirect_dma source(%dma_start3A_146 : memref<256x128xf32, #tpu.memory_space<vmem_shared>>) target(%arg14 : memref<128x128xf32, #tpu.memory_space<vmem>>) offsets(%dma_start3A_143 : memref<128xi32, #tpu.memory_space<vmem>>) semaphore(%arg22 : memref<!tpu.dma_semaphore, #tpu.memory_space<semaphore_mem>>)
      %dma_wait3A_147 = arith.constant 0 : i32
      %dma_wait3A_148 = arith.constant 0 : i32
      %dma_wait3A_149 = tpu.memref_slice %arg9[%dma_wait3A_147, %dma_wait3A_148] : memref<1x128xi32, #tpu.memory_space<vmem>> -> memref<1x128xi32, #tpu.memory_space<vmem>>
      %dma_wait3A_150 = tpu.memref_squeeze %dma_wait3A_149 : memref<1x128xi32, #tpu.memory_space<vmem>> -> memref<128xi32, #tpu.memory_space<vmem>>
      %dma_wait3A_151 = arith.constant 0 : i32
      %dma_wait3A_152 = arith.constant 0 : i32
      %dma_wait3A_153 = tpu.memref_slice %arg6[%dma_wait3A_151, %dma_wait3A_152] : memref<256x128xf32, #tpu.memory_space<vmem_shared>> -> memref<256x128xf32, #tpu.memory_space<vmem_shared>>
      tpu.wait_indirect_dma semaphore(%arg21 : memref<!tpu.dma_semaphore, #tpu.memory_space<semaphore_mem>>) src(%dma_wait3A_153 : memref<256x128xf32, #tpu.memory_space<vmem_shared>>) dst(%arg13 : memref<128x128xf32, #tpu.memory_space<vmem>>)
      %sub3A_154 = arith.constant 1 : i32
      %sub3A_155 = arith.subi %add3A_130, %sub3A_154 : i32
      %add3A_156 = arith.addi %mul3A_2, %sub3A_155 : i32
      %mul3A_157 = arith.constant 128 : i32
      %mul3A_158 = arith.muli %add3A_156, %mul3A_157 : i32
      %dma_start3A_159 = arith.constant 0 : i32
      %dma_start3A_160 = tpu.memref_slice %arg5[%mul3A_158, %dma_start3A_159] : memref<1638400x128xf32, #tpu.memory_space<hbm>> -> memref<128x128xf32, #tpu.memory_space<hbm>>
      %dma_start3A_161 = arith.constant 0 : i32
      %dma_start3A_162 = tpu.memref_slice %arg5[%mul3A_158, %dma_start3A_161] : memref<1638400x128xf32, #tpu.memory_space<hbm>> -> memref<128x128xf32, #tpu.memory_space<hbm>>
      tpu.enqueue_dma source(%arg13 : memref<128x128xf32, #tpu.memory_space<vmem>>) target(%dma_start3A_162 : memref<128x128xf32, #tpu.memory_space<hbm>>) target_semaphore(%arg25 : memref<!tpu.dma_semaphore, #tpu.memory_space<semaphore_mem>>)
      %add3A_163 = arith.constant 1 : i32
      %add3A_164 = arith.addi %add3A_130, %add3A_163 : i32
      %add3A_165 = arith.addi %mul3A_2, %add3A_164 : i32
      %dma_start3A_166 = arith.constant 0 : i32
      %dma_start3A_167 = tpu.memref_slice %arg2[%add3A_165, %dma_start3A_166] : memref<12800x128xi32, #tpu.memory_space<hbm>> -> memref<1x128xi32, #tpu.memory_space<hbm>>
      %dma_start3A_168 = arith.constant 0 : i32
      %dma_start3A_169 = tpu.memref_slice %arg2[%add3A_165, %dma_start3A_168] : memref<12800x128xi32, #tpu.memory_space<hbm>> -> memref<1x128xi32, #tpu.memory_space<hbm>>
      tpu.enqueue_dma source(%dma_start3A_169 : memref<1x128xi32, #tpu.memory_space<hbm>>) target(%arg11 : memref<1x128xi32, #tpu.memory_space<vmem>>) target_semaphore(%arg19 : memref<!tpu.dma_semaphore, #tpu.memory_space<semaphore_mem>>)
      %mul3A_170 = arith.constant 4 : i32
      %mul3A_171 = arith.muli %mul3A_170, %scan3A_53 : i32
      %add3A_172 = arith.constant 3 : i32
      %add3A_173 = arith.addi %mul3A_171, %add3A_172 : i32
      %dma_wait3A_174 = arith.constant 0 : i32
      %dma_wait3A_175 = tpu.memref_slice %arg2[%mul3A_2, %dma_wait3A_174] : memref<12800x128xi32, #tpu.memory_space<hbm>> -> memref<1x128xi32, #tpu.memory_space<hbm>>
      %dma_wait3A_176 = arith.constant 0 : i32
      %dma_wait3A_177 = tpu.memref_slice %arg2[%mul3A_2, %dma_wait3A_176] : memref<12800x128xi32, #tpu.memory_space<hbm>> -> memref<1x128xi32, #tpu.memory_space<hbm>>
      tpu.wait_dma2 semaphore(%arg19 : memref<!tpu.dma_semaphore, #tpu.memory_space<semaphore_mem>>) src(%dma_wait3A_177 : memref<1x128xi32, #tpu.memory_space<hbm>>) dst(%arg11 : memref<1x128xi32, #tpu.memory_space<vmem>>)
      %ge3A_178 = arith.constant 1 : i32
      %ge3A_179 = arith.cmpi sge, %scan3A_53, %ge3A_178 : i32
      %convert_element_type3A_180 = arith.extui %ge3A_179 : i1 to i32
      %cond3A_181 = arith.constant 0 : i32
      %cond3A_182 = arith.cmpi ne, %convert_element_type3A_180, %cond3A_181 : i32
      scf.if %cond3A_182 {
        %mul3A_212 = arith.constant 128 : i32
        %mul3A_213 = arith.muli %mul3A_2, %mul3A_212 : i32
        %dma_wait3A_214 = arith.constant 0 : i32
        %dma_wait3A_215 = tpu.memref_slice %arg5[%mul3A_213, %dma_wait3A_214] : memref<1638400x128xf32, #tpu.memory_space<hbm>> -> memref<128x128xf32, #tpu.memory_space<hbm>>
        %dma_wait3A_216 = arith.constant 0 : i32
        %dma_wait3A_217 = tpu.memref_slice %arg5[%mul3A_213, %dma_wait3A_216] : memref<1638400x128xf32, #tpu.memory_space<hbm>> -> memref<128x128xf32, #tpu.memory_space<hbm>>
        tpu.wait_dma2 semaphore(%arg27 : memref<!tpu.dma_semaphore, #tpu.memory_space<semaphore_mem>>) src(%arg15 : memref<128x128xf32, #tpu.memory_space<vmem>>) dst(%dma_wait3A_217 : memref<128x128xf32, #tpu.memory_space<hbm>>)
      } else {
      }
      %dma_start3A_183 = arith.constant 0 : i32
      %dma_start3A_184 = arith.constant 0 : i32
      %dma_start3A_185 = tpu.memref_slice %arg11[%dma_start3A_183, %dma_start3A_184] : memref<1x128xi32, #tpu.memory_space<vmem>> -> memref<1x128xi32, #tpu.memory_space<vmem>>
      %dma_start3A_186 = tpu.memref_squeeze %dma_start3A_185 : memref<1x128xi32, #tpu.memory_space<vmem>> -> memref<128xi32, #tpu.memory_space<vmem>>
      %dma_start3A_187 = arith.constant 0 : i32
      %dma_start3A_188 = arith.constant 0 : i32
      %dma_start3A_189 = tpu.memref_slice %arg6[%dma_start3A_187, %dma_start3A_188] : memref<256x128xf32, #tpu.memory_space<vmem_shared>> -> memref<256x128xf32, #tpu.memory_space<vmem_shared>>
      tpu.enqueue_indirect_dma source(%dma_start3A_189 : memref<256x128xf32, #tpu.memory_space<vmem_shared>>) target(%arg15 : memref<128x128xf32, #tpu.memory_space<vmem>>) offsets(%dma_start3A_186 : memref<128xi32, #tpu.memory_space<vmem>>) semaphore(%arg23 : memref<!tpu.dma_semaphore, #tpu.memory_space<semaphore_mem>>)
      %dma_wait3A_190 = arith.constant 0 : i32
      %dma_wait3A_191 = arith.constant 0 : i32
      %dma_wait3A_192 = tpu.memref_slice %arg10[%dma_wait3A_190, %dma_wait3A_191] : memref<1x128xi32, #tpu.memory_space<vmem>> -> memref<1x128xi32, #tpu.memory_space<vmem>>
      %dma_wait3A_193 = tpu.memref_squeeze %dma_wait3A_192 : memref<1x128xi32, #tpu.memory_space<vmem>> -> memref<128xi32, #tpu.memory_space<vmem>>
      %dma_wait3A_194 = arith.constant 0 : i32
      %dma_wait3A_195 = arith.constant 0 : i32
      %dma_wait3A_196 = tpu.memref_slice %arg6[%dma_wait3A_194, %dma_wait3A_195] : memref<256x128xf32, #tpu.memory_space<vmem_shared>> -> memref<256x128xf32, #tpu.memory_space<vmem_shared>>
      tpu.wait_indirect_dma semaphore(%arg22 : memref<!tpu.dma_semaphore, #tpu.memory_space<semaphore_mem>>) src(%dma_wait3A_196 : memref<256x128xf32, #tpu.memory_space<vmem_shared>>) dst(%arg14 : memref<128x128xf32, #tpu.memory_space<vmem>>)
      %sub3A_197 = arith.constant 1 : i32
      %sub3A_198 = arith.subi %add3A_173, %sub3A_197 : i32
      %add3A_199 = arith.addi %mul3A_2, %sub3A_198 : i32
      %mul3A_200 = arith.constant 128 : i32
      %mul3A_201 = arith.muli %add3A_199, %mul3A_200 : i32
      %dma_start3A_202 = arith.constant 0 : i32
      %dma_start3A_203 = tpu.memref_slice %arg5[%mul3A_201, %dma_start3A_202] : memref<1638400x128xf32, #tpu.memory_space<hbm>> -> memref<128x128xf32, #tpu.memory_space<hbm>>
      %dma_start3A_204 = arith.constant 0 : i32
      %dma_start3A_205 = tpu.memref_slice %arg5[%mul3A_201, %dma_start3A_204] : memref<1638400x128xf32, #tpu.memory_space<hbm>> -> memref<128x128xf32, #tpu.memory_space<hbm>>
      tpu.enqueue_dma source(%arg14 : memref<128x128xf32, #tpu.memory_space<vmem>>) target(%dma_start3A_205 : memref<128x128xf32, #tpu.memory_space<hbm>>) target_semaphore(%arg26 : memref<!tpu.dma_semaphore, #tpu.memory_space<semaphore_mem>>)
      %add3A_206 = arith.constant 1 : i32
      %add3A_207 = arith.addi %scan3A_53, %add3A_206 : i32
      %lt3A = arith.constant 100 : i32
      %lt3A_208 = arith.cmpi slt, %add3A_207, %lt3A : i32
      %convert_element_type3A_209 = arith.extui %lt3A_208 : i1 to i32
      %cond3A_210 = arith.constant 0 : i32
      %cond3A_211 = arith.cmpi ne, %convert_element_type3A_209, %cond3A_210 : i32
      scf.if %cond3A_211 {
        %add3A_212 = arith.constant 1 : i32
        %add3A_213 = arith.addi %add3A_173, %add3A_212 : i32
        %add3A_214 = arith.addi %mul3A_2, %add3A_213 : i32
        %dma_start3A_215 = arith.constant 0 : i32
        %dma_start3A_216 = tpu.memref_slice %arg2[%add3A_214, %dma_start3A_215] : memref<12800x128xi32, #tpu.memory_space<hbm>> -> memref<1x128xi32, #tpu.memory_space<hbm>>
        %dma_start3A_217 = arith.constant 0 : i32
        %dma_start3A_218 = tpu.memref_slice %arg2[%add3A_214, %dma_start3A_217] : memref<12800x128xi32, #tpu.memory_space<hbm>> -> memref<1x128xi32, #tpu.memory_space<hbm>>
        tpu.enqueue_dma source(%dma_start3A_218 : memref<1x128xi32, #tpu.memory_space<hbm>>) target(%arg8 : memref<1x128xi32, #tpu.memory_space<vmem>>) target_semaphore(%arg16 : memref<!tpu.dma_semaphore, #tpu.memory_space<semaphore_mem>>)
      } else {
      }
    }
    %scan3A_14 = arith.constant 100 : i32
    %dma_wait3A = arith.constant 0 : i32
    %dma_wait3A_15 = arith.constant 0 : i32
    %dma_wait3A_16 = tpu.memref_slice %arg11[%dma_wait3A, %dma_wait3A_15] : memref<1x128xi32, #tpu.memory_space<vmem>> -> memref<1x128xi32, #tpu.memory_space<vmem>>
    %dma_wait3A_17 = tpu.memref_squeeze %dma_wait3A_16 : memref<1x128xi32, #tpu.memory_space<vmem>> -> memref<128xi32, #tpu.memory_space<vmem>>
    %dma_wait3A_18 = arith.constant 0 : i32
    %dma_wait3A_19 = arith.constant 0 : i32
    %dma_wait3A_20 = tpu.memref_slice %arg6[%dma_wait3A_18, %dma_wait3A_19] : memref<256x128xf32, #tpu.memory_space<vmem_shared>> -> memref<256x128xf32, #tpu.memory_space<vmem_shared>>
    tpu.wait_indirect_dma semaphore(%arg23 : memref<!tpu.dma_semaphore, #tpu.memory_space<semaphore_mem>>) src(%dma_wait3A_20 : memref<256x128xf32, #tpu.memory_space<vmem_shared>>) dst(%arg15 : memref<128x128xf32, #tpu.memory_space<vmem>>)
    %add3A_21 = arith.constant 399 : i32
    %add3A_22 = arith.addi %mul3A_2, %add3A_21 : i32
    %mul3A_23 = arith.constant 128 : i32
    %mul3A_24 = arith.muli %add3A_22, %mul3A_23 : i32
    %dma_start3A_25 = arith.constant 0 : i32
    %dma_start3A_26 = tpu.memref_slice %arg5[%mul3A_24, %dma_start3A_25] : memref<1638400x128xf32, #tpu.memory_space<hbm>> -> memref<128x128xf32, #tpu.memory_space<hbm>>
    %dma_start3A_27 = arith.constant 0 : i32
    %dma_start3A_28 = tpu.memref_slice %arg5[%mul3A_24, %dma_start3A_27] : memref<1638400x128xf32, #tpu.memory_space<hbm>> -> memref<128x128xf32, #tpu.memory_space<hbm>>
    tpu.enqueue_dma source(%arg15 : memref<128x128xf32, #tpu.memory_space<vmem>>) target(%dma_start3A_28 : memref<128x128xf32, #tpu.memory_space<hbm>>) target_semaphore(%arg27 : memref<!tpu.dma_semaphore, #tpu.memory_space<semaphore_mem>>)
    %mul3A_29 = arith.constant 128 : i32
    %mul3A_30 = arith.muli %mul3A_2, %mul3A_29 : i32
    %dma_wait3A_31 = arith.constant 0 : i32
    %dma_wait3A_32 = tpu.memref_slice %arg5[%mul3A_30, %dma_wait3A_31] : memref<1638400x128xf32, #tpu.memory_space<hbm>> -> memref<128x128xf32, #tpu.memory_space<hbm>>
    %dma_wait3A_33 = arith.constant 0 : i32
    %dma_wait3A_34 = tpu.memref_slice %arg5[%mul3A_30, %dma_wait3A_33] : memref<1638400x128xf32, #tpu.memory_space<hbm>> -> memref<128x128xf32, #tpu.memory_space<hbm>>
    tpu.wait_dma2 semaphore(%arg24 : memref<!tpu.dma_semaphore, #tpu.memory_space<semaphore_mem>>) src(%arg12 : memref<128x128xf32, #tpu.memory_space<vmem>>) dst(%dma_wait3A_34 : memref<128x128xf32, #tpu.memory_space<hbm>>)
    %mul3A_35 = arith.constant 128 : i32
    %mul3A_36 = arith.muli %mul3A_2, %mul3A_35 : i32
    %dma_wait3A_37 = arith.constant 0 : i32
    %dma_wait3A_38 = tpu.memref_slice %arg5[%mul3A_36, %dma_wait3A_37] : memref<1638400x128xf32, #tpu.memory_space<hbm>> -> memref<128x128xf32, #tpu.memory_space<hbm>>
    %dma_wait3A_39 = arith.constant 0 : i32
    %dma_wait3A_40 = tpu.memref_slice %arg5[%mul3A_36, %dma_wait3A_39] : memref<1638400x128xf32, #tpu.memory_space<hbm>> -> memref<128x128xf32, #tpu.memory_space<hbm>>
    tpu.wait_dma2 semaphore(%arg25 : memref<!tpu.dma_semaphore, #tpu.memory_space<semaphore_mem>>) src(%arg13 : memref<128x128xf32, #tpu.memory_space<vmem>>) dst(%dma_wait3A_40 : memref<128x128xf32, #tpu.memory_space<hbm>>)
    %mul3A_41 = arith.constant 128 : i32
    %mul3A_42 = arith.muli %mul3A_2, %mul3A_41 : i32
    %dma_wait3A_43 = arith.constant 0 : i32
    %dma_wait3A_44 = tpu.memref_slice %arg5[%mul3A_42, %dma_wait3A_43] : memref<1638400x128xf32, #tpu.memory_space<hbm>> -> memref<128x128xf32, #tpu.memory_space<hbm>>
    %dma_wait3A_45 = arith.constant 0 : i32
    %dma_wait3A_46 = tpu.memref_slice %arg5[%mul3A_42, %dma_wait3A_45] : memref<1638400x128xf32, #tpu.memory_space<hbm>> -> memref<128x128xf32, #tpu.memory_space<hbm>>
    tpu.wait_dma2 semaphore(%arg26 : memref<!tpu.dma_semaphore, #tpu.memory_space<semaphore_mem>>) src(%arg14 : memref<128x128xf32, #tpu.memory_space<vmem>>) dst(%dma_wait3A_46 : memref<128x128xf32, #tpu.memory_space<hbm>>)
    %mul3A_47 = arith.constant 128 : i32
    %mul3A_48 = arith.muli %mul3A_2, %mul3A_47 : i32
    %dma_wait3A_49 = arith.constant 0 : i32
    %dma_wait3A_50 = tpu.memref_slice %arg5[%mul3A_48, %dma_wait3A_49] : memref<1638400x128xf32, #tpu.memory_space<hbm>> -> memref<128x128xf32, #tpu.memory_space<hbm>>
    %dma_wait3A_51 = arith.constant 0 : i32
    %dma_wait3A_52 = tpu.memref_slice %arg5[%mul3A_48, %dma_wait3A_51] : memref<1638400x128xf32, #tpu.memory_space<hbm>> -> memref<128x128xf32, #tpu.memory_space<hbm>>
    tpu.wait_dma2 semaphore(%arg27 : memref<!tpu.dma_semaphore, #tpu.memory_space<semaphore_mem>>) src(%arg15 : memref<128x128xf32, #tpu.memory_space<vmem>>) dst(%dma_wait3A_52 : memref<128x128xf32, #tpu.memory_space<hbm>>)
    return
  }
}

</mosaic_0001>

<sc_bundles>
// kernel: kernel.3.cloned.1.call-start
scs
__scs_entry_jumppad:
0x0: {  	(pc) =	sbr.rel $0x88, $3  }
0x1: {  	(tag) =	ssettag $0x0;
	lr =	simm.s32 $0x1  }
0x2: {  	[smem:$0x3F9E] =	sst lr;
	_ =	strace $0xD0000000  }
0x3: {  	_ = 	snop  }
0x4: {  	_ = 	snop  }
0x5: {  	_ = 	snop  }
0x6: {  	_ = 	snop  }
0x7: {  	_ = 	snop  }
__scs_overlays_trampoline_lowered:
0x8: {  	[smem:$0x3FAD] =	sst s0  }
0x9: {  	[smem:$0x3FAE] =	sst s1  }
0xa: {  	[smem:$0x3FAF] =	sst s2  }
0xb: {  	[smem:$0x3FB0] =	sst s3  }
0xc: {  	[smem:$0x3FB1] =	sst s4  }
0xd: {  	[smem:$0x3FB2] =	sst s5  }
0xe: {  	[smem:$0x3FB3] =	sst s6  }
0xf: {  	[smem:$0x3FB4] =	sst s7  }
0x10: {  	[smem:$0x3FB5] =	sst s8  }
0x11: {  	[smem:$0x3FB6] =	sst s9;
	s0 =	simm.s32 @!p0 $0x0  }
0x12: {  	s1 =	sld [smem:$0x3F9C];
	s0 =	simm.s32 @p0 $0x1  }
0x13: {  	[smem:$0x3FB7] =	sst s0;
	s0 =	simm.s32 @!p1 $0x0  }
0x14: {  	s2 =	sld [smem:$0x3F9B];
	s0 =	simm.s32 @p1 $0x1  }
0x15: {  	[smem:$0x3FB8] =	sst s0;
	s0 =	simm.s32 @!p2 $0x0  }
0x16: {  	s3 =	sld [smem:$0x3FDB];
	s0 =	simm.s32 @p2 $0x1  }
0x17: {  	s4 =	simm.s32 $0x1BF5;
	[smem:$0x3FBA] =	sst s0  }
0x18: {  	s0 =	sld [smem:$0x3F9D];
	_ =	swait.ge [sflag:s4], $0x0  }
0x19: {  	s7 =	sld [smem:$0x3F9E]  }
0x1a: {  	s8 =	sadd.s32 $0xFFFFE003, lr  }
0x1b: {  	s9 =	sadd.s32 $0xFFFFFEF7, lr;
	s5 =	simm.s32 $0xFFFFFFFF;
	p2 =	slt.u32 s8, $0xFFFFF086  }
0x1c: {  	p1 =	slt.u32 s9, $0xF7A;
	s5 =	simm.s32 @!p2 $0x0  }
0x1d: {  	s5 =	simm.s32 @p1 $0x1;
	p0 =	seq.s32 s7, s2  }
0x1e: {  	s7 =	smul.u32 @!p0 $0xF7A, s2;
	p2 =	seq.s32 @!p0 s5, $0x0  }
0x1f: {  	s9 =	smul.u32 $0xF7A, s1;
	s8 =	simm.s32 @!p0 $0x1BF5;
	p2 =	por !p2, p0  }
0x20: {  	[sflag:s8] =	ssyncset.s32 @!p0 $0xFFFFF086;
	s6 =	sadd.s32 @!p0 s3, s7;
	s7 =	simm.s32 @!p0 $0x108  }
0x21: {  	s3 =	sadd.s32 s3, s9;
	s6 =	sadd.s32 @!p0 $0x88, s6;
	s7 =	simm.s32 @p2 $0x1082  }
0x22: {  	[simem:s7], [sflag:s8] =	dma.local @!p0 [hbm:s6], $0xF7A  }
0x23: {  	s9 =	sor.u32 $0xD0000000, s2;
	s6 =	simm.s32 $0x108;
	_ =	swait.ge @!p0 [sflag:s8], $0x0  }
0x24: {  	s3 =	sadd.s32 $0x88, s3;
	s6 =	simm.s32 @!p1 $0x1082;
	[sflag:s4] =	ssyncset.s32 $0xFFFFF086  }
0x25: {  	[simem:s6], [sflag:s4] =	dma.local [hbm:s3], $0xF7A  }
0x26: {  	[smem:$0x3F9E] =	sst s1;
	(tag) =	ssettag s2;
	_ =	strace s9  }
0x27: {  	s1 =	sld [smem:$0x3FAE]  }
0x28: {  	s2 =	sld [smem:$0x3FAF]  }
0x29: {  	s4 =	sld [smem:$0x3FB1]  }
0x2a: {  	p0 =	seq.s32 s5, $0x0;
	s5 =	sld [smem:$0x3FB2]  }
0x2b: {  	s6 =	sld [smem:$0x3FB3]  }
0x2c: {  	s7 =	sld [smem:$0x3FB4]  }
0x2d: {  	s3 =	simm.s32 $0x108;
	s8 =	sld [smem:$0x3FB5]  }
0x2e: {  	s3 =	simm.s32 @!p0 $0x1082;
	s9 =	sld [smem:$0x3FB6]  }
0x2f: {  	lr =	sadd.s32 s0, s3;
	s0 =	sld [smem:$0x3FAD]  }
0x30: {  	s3 =	sld [smem:$0x3FB0]  }
0x31: {  	[smem:$0x3FB9] =	sst s10  }
0x32: {  	s10 =	sld [smem:$0x3FB7];
	_ =	sdelay $0x3  }
0x33: {  	p0 =	seq.s32 s10, $0x1;
	s10 =	sld [smem:$0x3FB9];
	_ =	sdelay $0x3  }
0x34: {  	[smem:$0x3FB9] =	sst s10  }
0x35: {  	s10 =	sld [smem:$0x3FB8];
	_ =	sdelay $0x3  }
0x36: {  	p1 =	seq.s32 s10, $0x1;
	s10 =	sld [smem:$0x3FB9];
	_ =	sdelay $0x3  }
0x37: {  	[smem:$0x3FB9] =	sst s10  }
0x38: {  	s10 =	sld [smem:$0x3FBA]  }
0x39: {  	_ = 	snop;
	(pc) =	sbr.ind lr, $3  }
0x3a: {  	_ = 	snop  }
0x3b: {  	_ = 	snop  }
0x3c: {  	p2 =	seq.s32 s10, $0x1;
	s10 =	sld [smem:$0x3FB9]  }
0x3d: {  	_ =	shalt  }
0x3e: {  	_ =	shalt  }
0x3f: {  	_ =	shalt  }
0x40: {  	_ =	shalt  }
0x41: {  	_ =	shalt  }
0x42: {  	_ =	shalt  }
0x43: {  	_ =	shalt  }
0x44: {  	_ =	shalt  }
0x45: {  	_ =	shalt  }
0x46: {  	_ =	shalt  }
0x47: {  	_ =	shalt  }
0x48: {  	_ =	shalt  }
0x49: {  	_ =	shalt  }
0x4a: {  	_ =	shalt  }
0x4b: {  	_ =	shalt  }
0x4c: {  	_ =	shalt  }
0x4d: {  	_ =	shalt  }
0x4e: {  	_ =	shalt  }
0x4f: {  	_ =	shalt  }
0x50: {  	_ =	shalt  }
0x51: {  	_ =	shalt  }
0x52: {  	_ =	shalt  }
0x53: {  	_ =	shalt  }
0x54: {  	_ =	shalt  }
0x55: {  	_ =	shalt  }
0x56: {  	_ =	shalt  }
0x57: {  	_ =	shalt  }
0x58: {  	_ =	shalt  }
0x59: {  	_ =	shalt  }
0x5a: {  	_ =	shalt  }
0x5b: {  	_ =	shalt  }
0x5c: {  	_ =	shalt  }
0x5d: {  	_ =	shalt  }
0x5e: {  	_ =	shalt  }
0x5f: {  	_ =	shalt  }
0x60: {  	_ =	shalt  }
0x61: {  	_ =	shalt  }
0x62: {  	_ =	shalt  }
0x63: {  	_ =	shalt  }
0x64: {  	_ =	shalt  }
0x65: {  	_ =	shalt  }
0x66: {  	_ =	shalt  }
0x67: {  	_ =	shalt  }
0x68: {  	_ =	shalt  }
0x69: {  	_ =	shalt  }
0x6a: {  	_ =	shalt  }
0x6b: {  	_ =	shalt  }
0x6c: {  	_ =	shalt  }
0x6d: {  	_ =	shalt  }
0x6e: {  	_ =	shalt  }
0x6f: {  	_ =	shalt  }
0x70: {  	_ =	shalt  }
0x71: {  	_ =	shalt  }
0x72: {  	_ =	shalt  }
0x73: {  	_ =	shalt  }
0x74: {  	_ =	shalt  }
0x75: {  	_ =	shalt  }
0x76: {  	_ =	shalt  }
0x77: {  	_ =	shalt  }
0x78: {  	_ =	shalt  }
0x79: {  	_ =	shalt  }
0x7a: {  	_ =	shalt  }
0x7b: {  	_ =	shalt  }
0x7c: {  	_ =	shalt  }
0x7d: {  	_ =	shalt  }
0x7e: {  	_ =	shalt  }
0x7f: {  	_ =	shalt  }
0x80: {  	_ =	shalt  }
0x81: {  	_ =	shalt  }
0x82: {  	_ =	shalt  }
0x83: {  	_ =	shalt  }
0x84: {  	_ =	shalt  }
0x85: {  	_ =	shalt  }
0x86: {  	_ =	shalt  }
0x87: {  	_ =	shalt  }
.Lfunc_end0:
.L_simem_size_0:
called_computation_lowered:
.L_overlay_start_0:
0x88: {  	s2 =	sld [smem:$0x3FD9]  }
0x89: {  	s3 =	sld [smem:$0x3FFE];
	_ =	sdelay $0x1  }
0x8a: {  	s1 =	srdreg.scid  }
0x8b: {  	s0 =	sand.u32 $0x1, s1  }
0x8c: {  	s17 =	sshll.u32 s0, $0xA;
	s2 =	sadd.s32 s3, s2  }
0x8d: {  	s2 =	sadd.s32 s2, s17  }
0x8e: {  	[smem:$0x3FC5] =	sst s2  }
0x8f: {  	_ = 	snop  }
0x90: {  	s2 =	sld [smem:$0x3FC8]  }
0x91: {  	s18 =	sld [smem:$0x3FC7]  }
0x92: {  	s4 =	sld [smem:$0x3FD0];
	(tm) =	ssettm $0x1  }
0x93: {  	s5 =	sld [smem:$0x3FFB];
	_ =	sdelay $0x3  }
0x94: {  	_ =	strace s5  }
0x95: {  	s5 =	sld [smem:$0x3FFC];
	_ =	sdelay $0x3  }
0x96: {  	_ =	strace s5  }
0x97: {  	s5 =	sld [smem:$0x3FFD];
	_ =	sdelay $0x3  }
0x98: {  	_ =	strace s5  }
0x99: {  	_ =	strace $0x8FFFFFFF  }
0x9a: {  	s19 =	sld [smem:$0x3FDB];
	_ =	sdelay $0x1  }
0x9b: {  	s6 =	simm.s32 $_scs_section_size  }
0x9c: {  	s7 =	simm.s32 $_size__tile_overlayer_lowered;
	s8 =	simm.s32 $_tile_overlayer_lowered  }
0x9d: {  	s22 =	simm.s32 $0x1BFF;
	s21 =	sshll.u32 s8, $0x1;
	s5 =	sadd.s32 s6, s19  }
0x9e: {  	s9 =	simm.s32 $0x0;
	s20 =	sshll.u32 s7, $0x1;
	s7 =	sadd.s32 s21, s5  }
0x9f: {  	[timem:s9], [sflag:s22] =	dma.local [hbm:s7], s20  }
0xa0: {  	_ =	swait.ge [sflag:s22], s20  }
0xa1: {  	s6 =	ssub.s32 $0x0, s20;
	[sflag:s22] =	ssyncset.done $0x0  }
0xa2: {  	[sflag:s22] =	ssyncadd.s32 s6;
	_ =	sdelay $0x1  }
0xa3: {  	s23 =	simm.s32 $0x1B8B  }
0xa4: {  	_ =	swait.ge [sflag:s23], $0x1  }
0xa5: {  	[sflag:s23] =	ssyncset.done $0x0  }
0xa6: {  	s25 =	simm.s32 $0x1B8E;
	s24 =	sld [smem:$0x3FFE];
	[sflag:s23] =	ssyncadd.s32 $0xFFFFFFFF  }
0xa7: {  	s26 =	simm.s32 $execute0_lowered;
	[smem:$0x3FD2] =	sst s25  }
0xa8: {  	s7 =	sshll.u32 s26, $0x1;
	_ =	strace $0x80000046;
	[dreg:$0x1] =	wrdreg $0xFFFFFFFF  }
0xa9: {  	s28 =	simm.s32 $_size_execute0_lowered;
	s5 =	sadd.s32 s5, s7;
	[dreg:$0x0] =	wrdreg $0x0  }
0xaa: {  	s7 =	sshll.u32 s28, $0x1;
	[dreg:$0x2] =	wrdreg s5  }
0xab: {  	[dreg:$0x3] =	wrdreg s7  }
0xac: {  	[dreg:$0x4] =	wrdreg $0xC0  }
0xad: {  	_ =	task [dreg:s9], $0x5FFFF  }
0xae: {  	[dreg:$0x1] =	wrdreg $0xFFFFFFFF  }
0xaf: {  	[dreg:$0x0] =	wrdreg $0x60  }
0xb0: {  	[dreg:$0x2] =	wrdreg s4  }
0xb1: {  	[dreg:$0x3] =	wrdreg s2  }
0xb2: {  	[dreg:$0x4] =	wrdreg s18  }
0xb3: {  	[dreg:$0x5] =	wrdreg s24  }
0xb4: {  	[dreg:$0x6] =	wrdreg $0x0  }
0xb5: {  	[dreg:$0x7] =	wrdreg $0x9  }
0xb6: {  	_ =	task.clear_ibuf [dreg:s9], $0x8FFFF;
	_ =	strace $0x90000046  }
0xb7: {  	s29 =	simm.s32 $0x9;
	_ =	strace $0x80000048  }
0xb8: {  	_ =	swait.ge [sflag:s29], $0x1  }
0xb9: {  	[sflag:s29] =	ssyncadd.s32 $0xFFFFFFFF  }
0xba: {  	_ =	strace $0x90000048  }
0xbb: {  	_ =	sfence  }
0xbc: {  	s30 =	sld [smem:$0x0];
	_ =	sdelay $0x2  }
0xbd: {  	s31 =	sshll.u32 s1, $0xD;
	s1 =	sshrl.u32 s1, $0x2  }
0xbe: {  	s3 =	sand.u32 $0x4000, s31;
	s1 =	sadd.s32 s1, s30  }
0xbf: {  	s0 =	sor.u32 s3, s0;
	s1 =	sshll.u32 s1, $0x11  }
0xc0: {  	s0 =	sor.u32 s1, s0  }
0xc1: {  	s0 =	sadd.s32 $0x8F2B, s0  }
0xc2: {  	[sflag:s0] =	ssyncadd.remote.s32 $0x1  }
0xc3: {  	_ =	sfence.sel $0xFFFF  }
0xc4: {  	[dreg:$0x0] =	wrdreg $0xFFFFFFFF;
	(pc) =	sbr.abs _section_cstart, $3  }
0xc5: {  	[dreg:$0x1] =	wrdreg $0xFFFFFFFF  }
0xc6: {  	_ =	task.clear_ibuf [dreg:s9], $0x2FFFF;
	_ =	strace $0x9FFFFFFF  }
0xc7: {  	(tm) =	ssettm $0x7FFFFFFF  }
tec
execute0_lowered:
.L_overlay_start_1:
0x0: {  	(tag) =	ssettag $0x1  }
0x1: {  	s0 =	rddreg [dreg:$0x0];
	s1 =	srdreg.scid  }
0x2: {  	s2 =	stileid.u32;
	s6 =	rddreg [dreg:$0x3]  }
0x3: {  	s4 =	rddreg [dreg:$0x4];
	s5 =	simm.s32 $0x0;
	s15 =	simm.s32 $0x1  }
0x4: {  	s16 =	simm.s32 $0x8880;
	s17 =	simm.s32 $0x2;
	s18 =	simm.s32 $0x80  }
0x5: {  	s19 =	simm.s32 $0xCA00;
	s20 =	simm.s32 $0x5;
	s21 =	simm.s32 $0x8A00  }
0x6: {  	s28 =	simm.s32 $0x4;
	s29 =	simm.s32 $0x14A00;
	s8 =	smul.u32 $0x190000, s2  }
0x7: {  	s30 =	simm.s32 $0x7;
	s14 =	simm.s32 $0xC;
	s10 =	smul.u32 $0x320, s2  }
0x8: {  	s1 =	sand.u32 $0x1, s1;
	s3 =	sshll.u32 s2, $0x1;
	s23 =	smul.u32 $0x3200, s2  }
0x9: {  	[smem:$0x7FF] =	sst s5;
	s6 =	sadd.s32 $0x400, s6;
	s12 =	smul.u32 $0x190, s1  }
0xa: {  	p0 =	sne.s32 s2, $0x0;
	s2 =	simm.s32 $0xB;
	s22 =	smul.u32 $0xC8000, s1  }
0xb: {  	s3 =	sor.u32 s1, s3;
	s9 =	ssub.s32 $0x2, s1;
	s1 =	smul.u32 $0x1900, s1  }
0xc: {  	_ =	strace $0x80000047;
	s7 =	smul.u32 $0x1900, s3;
	s11 =	sshrl.u32 s9, $0x1  }
0xd: {  	s3 =	smul.u32 $0x640000, s3;
	s9 =	ssub.s32 s9, s11;
	s10 =	sadd.s32 s12, s10  }
0xe: {  	s12 =	sadd.s32 s1, s23;
	s23 =	simm.s32 $0x3;
	s1 =	simm.s32 $0xA  }
0xf: {  	s7 =	sadd.s32 s0, s7;
	s3 =	sshrl.u32 s3, $0x3;
	s10 =	sshll.u32 s10, $0xB  }
0x10: {  	s24 =	smax.u32 s9, $0x1;
	[dreg:$0x6] =	wrdreg s7;
	s3 =	sadd.s32 s6, s3  }
0x11: {  	[dreg:$0x8] =	wrdreg s24;
	s25 =	sadd.s32 s10, s6;
	s7 =	sadd.s32 s22, s8  }
0x12: {  	s22 =	simm.s32 $0x8900;
	s3 =	sadd.s32 $0xC7800, s3;
	[dreg:$0x9] =	wrdreg s7  }
0x13: {  	s24 =	simm.s32 $0x10A00;
	s26 =	sadd.s32 $0x1000, s25;
	[dreg:$0x7] =	wrdreg s3  }
0x14: {  	s31 =	sadd.s32 $0x800, s25;
	s25 =	simm.s32 $0x6;
	[dreg:$0xa] =	wrdreg s26  }
0x15: {  	s7 =	simm.s32 $0x0;
	[dreg:$0xb] =	wrdreg s31;
	s26 =	simm.s32 $0x8980  }
.LBB2_1:
0x16: {  	s9 =	simm.s32 @!p0 $0x0  }
0x17: {  	s10 =	simm.s32 @!p0 $0x800;
	s3 =	rddreg [dreg:$0x1];
	s11 =	simm.s32 @!p0 $0xD  }
0x18: {  	[tilespmem:s10], [sflag:$0xD] =	stream.linear.gather @!p0 [hbm4b:s3+s9], $0x8000, $0x38;
	[tilespmem:$0x18A00] =	vst v63  }
0x19: {  	_ =	swait.ge @!p0 [sflag:s11], $0x8000  }
0x1a: {  	[sflag:s11] =	ssyncset.done @!p0 $0x0  }
0x1b: {  	[sflag:s11] =	ssyncadd.s32 @!p0 $0xFFFF8000  }
0x1c: {  	s13 =	simm.s32 @!p0 $0x8780;
	s3 =	rddreg [dreg:$0x2]  }
0x1d: {  	[tilespmem:s13], [sflag:$0xD] =	stream.linear.gather @!p0 [hbm4b:s3+s9], $0x80, $0x38;
	[tilespmem:$0x18A00] =	vst v63  }
0x1e: {  	_ =	swait.ge @!p0 [sflag:s11], $0x80  }
0x1f: {  	[sflag:s11] =	ssyncset.done @!p0 $0x0  }
0x20: {  	[sflag:s11] =	ssyncadd.s32 @!p0 $0xFFFFFF80  }
0x21: {  	[spmem:s4] =	stream.linear.scatter @!p0 [tilespmem:s10], [sflag:$0xD], $0x8000, $0x38;
	[tilespmem:$0x18A00] =	vst v63  }
0x22: {  	_ =	swait.ge @!p0 [sflag:s11], $0x8000  }
0x23: {  	[sflag:s11] =	ssyncset.done @!p0 $0x0  }
0x24: {  	[sflag:s11] =	ssyncadd.s32 @!p0 $0xFFFF8000  }
0x25: {  	[bflag:$0x0] =	sbarrier.arrive $0xFFFF  }
0x26: {  	s31 =	rddreg [dreg:$0x6]  }
0x27: {  	s13 =	rddreg [dreg:$0xb]  }
0x28: {  	s11 =	rddreg [dreg:$0xa]  }
0x29: {  	s8 =	simm.s32 $0x8800;
	s9 =	simm.s32 $0x0;
	s10 =	rddreg [dreg:$0x9]  }
0x2a: {  	[tilespmem:s8], [sflag:$0x1] =	stream.linear.gather [hbm4b:s31+s5], $0x80, $0x38;
	[tilespmem:$0x18A00] =	vst v63  }
.LBB2_2:
0x2b: {  	_ =	swait.ge [sflag:s15], $0x80;
	p1 =	seq.s32 s9, $0x0  }
0x2c: {  	[sflag:s15] =	ssyncset.done $0x0;
	s8 =	simm.s32 @p1 $0x80  }
0x2d: {  	s31 =	simm.s32 @p1 $0x8800;
	s3 =	simm.s32 @p1 $0x8A00;
	[sflag:s15] =	ssyncadd.s32 $0xFFFFFF80  }
0x2e: {  	[tilespmem:s3], [sflag:$0x5] =	stream.indirect.gather @p1 [spmem:s4], $0x80, s31, s8, $0xb8;
	[tilespmem:$0x18A00] =	vst v63  }
0x2f: {  	s3 =	simm.s32 @!p1 $0x9  }
0x30: {  	_ =	swait.ge @!p1 [sflag:s3], $0x4000  }
0x31: {  	s8 =	simm.s32 @!p1 $0x8800;
	[sflag:s3] =	ssyncset.done @!p1 $0x0  }
0x32: {  	s31 =	simm.s32 @!p1 $0x8A00;
	[sflag:s3] =	ssyncadd.s32 @!p1 $0xFFFFC000;
	s3 =	simm.s32 @!p1 $0x80  }
0x33: {  	[tilespmem:s31], [sflag:$0x5] =	stream.indirect.gather @!p1 [spmem:s4], $0x80, s8, s3, $0xb8;
	[tilespmem:$0x18A00] =	vst v63  }
0x34: {  	s3 =	simm.s32 @!p1 $0x8  }
0x35: {  	_ =	swait.ge @!p1 [sflag:s3], $0x4000  }
0x36: {  	s8 =	sadd.s32 @!p1 $0x1FFFF800, s10;
	[sflag:s3] =	ssyncset.done @!p1 $0x0  }
0x37: {  	[sflag:s3] =	ssyncadd.s32 @!p1 $0xFFFFC000;
	s3 =	sand.u32 @!p1 $0x1FFFF800, s8  }
0x38: {  	s31 =	simm.s32 @!p1 $0x14A00;
	s8 =	simm.s32 @!p1 $0x0;
	s3 =	sadd.s32 @!p1 s6, s3  }
0x39: {  	[hbm4b:s3+s8] =	stream.linear.scatter @!p1 [tilespmem:s31], [sflag:$0xC], $0x4000, $0x38;
	[tilespmem:$0x18A00] =	vst v63  }
0x3a: {  	s8 =	sadd.s32 $0x10, s9  }
0x3b: {  	s31 =	sadd.s32 s12, s8;
	s3 =	sand.u32 $0x50, s8  }
0x3c: {  	s8 =	sand.u32 $0xFFFFF80, s31;
	s3 =	sadd.s32 s0, s3  }
0x3d: {  	s3 =	sadd.s32 s8, s3  }
0x3e: {  	[tilespmem:s16], [sflag:$0x2] =	stream.linear.gather [hbm4b:s3+s5], $0x80, $0x38;
	[tilespmem:$0x18A00] =	vst v63  }
0x3f: {  	_ =	swait.ge [sflag:s17], $0x80  }
0x40: {  	[sflag:s17] =	ssyncset.done $0x0  }
0x41: {  	s3 =	simm.s32 @!p1 $0xA;
	[sflag:s17] =	ssyncadd.s32 $0xFFFFFF80  }
0x42: {  	_ =	swait.ge @!p1 [sflag:s3], $0x4000  }
0x43: {  	[sflag:s3] =	ssyncset.done @!p1 $0x0  }
0x44: {  	[sflag:s3] =	ssyncadd.s32 @!p1 $0xFFFFC000  }
0x45: {  	[tilespmem:s19], [sflag:$0x6] =	stream.indirect.gather [spmem:s4], $0x80, s16, s18, $0xb8;
	[tilespmem:$0x18A00] =	vst v63  }
0x46: {  	_ =	swait.ge [sflag:s20], $0x4000  }
0x47: {  	[sflag:s20] =	ssyncset.done $0x0  }
0x48: {  	s31 =	sadd.s32 s10, s6;
	s8 =	sadd.s32 $0x20, s9;
	[sflag:s20] =	ssyncadd.s32 $0xFFFFC000  }
0x49: {  	[hbm4b:s31+s5] =	stream.linear.scatter [tilespmem:s21], [sflag:$0x9], $0x4000, $0x38;
	[tilespmem:$0x18A00] =	vst v63  }
0x4a: {  	s3 =	sand.u32 $0x60, s8;
	s31 =	sadd.s32 s12, s8  }
0x4b: {  	s3 =	sadd.s32 s0, s3;
	s8 =	sand.u32 $0xFFFFF80, s31  }
0x4c: {  	s3 =	sadd.s32 s8, s3  }
0x4d: {  	[tilespmem:s22], [sflag:$0x3] =	stream.linear.gather [hbm4b:s3+s5], $0x80, $0x38;
	[tilespmem:$0x18A00] =	vst v63  }
0x4e: {  	_ =	swait.ge [sflag:s23], $0x80  }
0x4f: {  	[sflag:s23] =	ssyncset.done $0x0  }
0x50: {  	s3 =	simm.s32 @!p1 $0xB;
	[sflag:s23] =	ssyncadd.s32 $0xFFFFFF80  }
0x51: {  	_ =	swait.ge @!p1 [sflag:s3], $0x4000  }
0x52: {  	[sflag:s3] =	ssyncset.done @!p1 $0x0  }
0x53: {  	[sflag:s3] =	ssyncadd.s32 @!p1 $0xFFFFC000  }
0x54: {  	[tilespmem:s24], [sflag:$0x7] =	stream.indirect.gather [spmem:s4], $0x80, s22, s18, $0xb8;
	[tilespmem:$0x18A00] =	vst v63  }
0x55: {  	s31 =	sand.u32 $0x40, s9;
	s8 =	sadd.s32 s9, s12;
	_ =	swait.ge [sflag:s25], $0x4000  }
0x56: {  	s3 =	sand.u32 $0xFFFFF80, s8;
	s8 =	sadd.s32 s31, s0;
	[sflag:s25] =	ssyncset.done $0x0  }
0x57: {  	s3 =	sadd.s32 s3, s8;
	[sflag:s25] =	ssyncadd.s32 $0xFFFFC000  }
0x58: {  	[hbm4b:s13+s5] =	stream.linear.scatter [tilespmem:s19], [sflag:$0xA], $0x4000, $0x38;
	[tilespmem:$0x18A00] =	vst v63  }
0x59: {  	s3 =	sadd.s32 $0x30, s3  }
0x5a: {  	[tilespmem:s26], [sflag:$0x4] =	stream.linear.gather [hbm4b:s3+s5], $0x80, $0x38;
	[tilespmem:$0x18A00] =	vst v63  }
0x5b: {  	_ =	swait.ge [sflag:s28], $0x80  }
0x5c: {  	[sflag:s28] =	ssyncset.done $0x0  }
0x5d: {  	s3 =	simm.s32 @!p1 $0xC;
	[sflag:s28] =	ssyncadd.s32 $0xFFFFFF80  }
0x5e: {  	_ =	swait.ge @!p1 [sflag:s3], $0x4000  }
0x5f: {  	[sflag:s3] =	ssyncset.done @!p1 $0x0  }
0x60: {  	[sflag:s3] =	ssyncadd.s32 @!p1 $0xFFFFC000;
	p1 =	seq.s32 s9, $0x18C0  }
0x61: {  	[tilespmem:s29], [sflag:$0x8] =	stream.indirect.gather [spmem:s4], $0x80, s26, s18, $0xb8;
	[tilespmem:$0x18A00] =	vst v63  }
0x62: {  	s9 =	sadd.s32 @!p1 $0x40, s9;
	s31 =	simm.s32 @!p1 $0x8800  }
0x63: {  	s10 =	sadd.s32 @!p1 $0x2000, s10;
	s13 =	sadd.s32 @!p1 $0x2000, s13;
	p2 =	sne.s32 @!p1 s9, $0x1900  }
0x64: {  	_ =	swait.ge [sflag:s30], $0x4000;
	s3 =	sadd.s32 @!p1 s12, s9;
	p2 =	por p1, !p2  }
.Ltmp0:
0x65: {  	s8 =	sand.u32 @!p1 $0x40, s9;
	[sflag:s30] =	ssyncset.done $0x0;
	(pc) =	sbr.rel @!p2 .LBB2_2-.Ltmp0, $4  }
0x66: {  	s3 =	sand.u32 @!p1 $0xFFFFF80, s3;
	s8 =	sadd.s32 @!p1 s0, s8;
	[sflag:s30] =	ssyncadd.s32 $0xFFFFC000  }
0x67: {  	[hbm4b:s11+s5] =	stream.linear.scatter [tilespmem:s24], [sflag:$0xB], $0x4000, $0x38;
	[tilespmem:$0x18A00] =	vst v63  }
0x68: {  	s3 =	sadd.s32 @!p1 s3, s8;
	s8 =	simm.s32 @!p1 $0x0;
	s11 =	sadd.s32 @!p1 $0x2000, s11  }
0x69: {  	[tilespmem:s31], [sflag:$0x1] =	stream.linear.gather @!p1 [hbm4b:s3+s8], $0x80, $0x38;
	[tilespmem:$0x18A00] =	vst v63  }
0x6a: {  	s3 =	simm.s32 $0x8  }
0x6b: {  	_ =	swait.ge [sflag:s3], $0x4000  }
0x6c: {  	[sflag:s3] =	ssyncset.done $0x0  }
0x6d: {  	s13 =	simm.s32 $0x9;
	s11 =	rddreg [dreg:$0x7];
	[sflag:s3] =	ssyncadd.s32 $0xFFFFC000  }
0x6e: {  	[hbm4b:s11+s5] =	stream.linear.scatter [tilespmem:s29], [sflag:$0xC], $0x4000, $0x38;
	[tilespmem:$0x18A00] =	vst v63  }
0x6f: {  	_ =	swait.ge [sflag:s13], $0x4000  }
0x70: {  	[sflag:s13] =	ssyncset.done $0x0  }
0x71: {  	[sflag:s13] =	ssyncadd.s32 $0xFFFFC000  }
0x72: {  	_ =	swait.ge [sflag:s1], $0x4000  }
0x73: {  	[sflag:s1] =	ssyncset.done $0x0  }
0x74: {  	[sflag:s1] =	ssyncadd.s32 $0xFFFFC000  }
0x75: {  	_ =	swait.ge [sflag:s2], $0x4000  }
0x76: {  	[sflag:s2] =	ssyncset.done $0x0  }
0x77: {  	[sflag:s2] =	ssyncadd.s32 $0xFFFFC000  }
0x78: {  	_ =	swait.ge [sflag:s14], $0x4000  }
0x79: {  	s7 =	sadd.s32 $0x1, s7;
	s31 =	rddreg [dreg:$0x8]  }
0x7a: {  	p1 =	sne.s32 s7, s31  }
.Ltmp1:
0x7b: {  	_ = 	snop;
	(pc) =	sbr.rel @p1 .LBB2_1-.Ltmp1, $3  }
0x7c: {  	_ =	sdelay $0x1  }
0x7d: {  	[sflag:s14] =	ssyncset.done $0x0  }
0x7e: {  	[sflag:s14] =	ssyncadd.s32 $0xFFFFC000  }
0x7f: {  	_ =	sfence.sel $0x180000  }
0x80: {  	[bflag:$0x0] =	sbarrier.arrive $0xFFFF  }
0x81: {  	_ =	strace $0x90000047  }
0x82: {  	[bflag:$0x2] =	sbarrier.arrive $0xFFFF  }
0x83: {  	s0 =	rddreg [dreg:$0x5]  }
0x84: {  	s0 =	sadd.s32 @!p0 $0x100000, s0  }
0x85: {  	[sflag:s0] =	ssyncadd.tile.s32 @!p0 $0x1;
	_ =	shalt  }
.Lfunc_end2:
_tile_overlayer_lowered:
.L_overlay_start_2:
0x86: {  	(tag) =	ssettag $0x2  }
0x87: {  	s0 =	rddreg [dreg:$0x0];
	s2 =	stileid.u32  }
0x88: {  	s1 =	rddreg [dreg:$0x1];
	p0 =	sne.s32 s2, $0x0  }
0x89: {  	s3 =	rddreg [dreg:$0x2];
	[bflag:$0x3] =	sbarrier.arrive $0xFFFF;
	s2 =	simm.s32 @!p0 $0x1C0D  }
0x8a: {  	[timem:s3], [sflag:s2] =	dma.local @!p0 [hbm:s0], s1  }
0x8b: {  	s0 =	simm.s32 @!p0 $0xD  }
0x8c: {  	_ =	swait.ge @!p0 [sflag:s0], s1  }
0x8d: {  	s1 =	ssub.s32 @!p0 $0x0, s1;
	[sflag:s0] =	ssyncset.done @!p0 $0x0  }
0x8e: {  	[sflag:s0] =	ssyncadd.s32 @!p0 s1  }
0x8f: {  	[bflag:$0x3] =	sbarrier.arrive $0xFFFF  }
0x90: {  	_ =	shalt  }

</sc_bundles>
